<compile_context>
chip_gen: v7x
topology: tpu7x:2x2x1
jax: 0.10.2.dev20260603
libtpu: 0.0.44.dev20260713+nightly
codegen_flags: <defaults>
</compile_context>

<pallas_src>
import functools

import jax
import jax.numpy as jnp
from jax import lax
from jax.experimental import pallas as pl
from jax.experimental.pallas import tpu as pltpu
from jax.experimental.pallas import tpu_sc as plsc

N = 10000
E = 320000
D = 128

NC = 2
NS = 16
NW = NC * NS
E_PER_W = E // NW
B = 40
FULL_STEPS = 250
NP = 10240
R_PER_T = NP // NS
RB = 80


def _msg_body(x_ref, wt_ref, m_ref):
    e = jnp.dot(x_ref[...], wt_ref[...], preferred_element_type=jnp.float32)
    g = jax.nn.sigmoid(e[:, :D])
    m_ref[...] = g * e[:, D:]


def _msg(x, wt):
    blk = 1000
    return pl.pallas_call(
        _msg_body,
        grid=(N // blk,),
        in_specs=[
            pl.BlockSpec((blk, D), lambda i: (i, 0)),
            pl.BlockSpec((D, 2 * D), lambda i: (0, 0)),
        ],
        out_specs=pl.BlockSpec((blk, D), lambda i: (i, 0)),
        out_shape=jax.ShapeDtypeStruct((N, D), jnp.float32),
    )(x, wt)


def _make_scatter():
    mesh = plsc.VectorSubcoreMesh(core_axis_name="c", subcore_axis_name="s")

    @functools.partial(
        pl.kernel,
        out_type=jax.ShapeDtypeStruct((NC, NP, D), jnp.float32),
        mesh=mesh,
        scratch_types=[
            pltpu.VMEM((E_PER_W,), jnp.int32),
            pltpu.VMEM((E_PER_W,), jnp.int32),
            pltpu.VMEM((B, D), jnp.float32),
            pltpu.VMEM((B, D), jnp.float32),
            pltpu.VMEM((B, D), jnp.float32),
            pltpu.VMEM((B, D), jnp.float32),
            pltpu.VMEM((B, D), jnp.float32),
            pltpu.VMEM_SHARED((NP, D), jnp.float32),
            pltpu.SemaphoreType.DMA,
            pltpu.SemaphoreType.DMA,
            pltpu.SemaphoreType.DMA,
            pltpu.SemaphoreType.DMA,
            pltpu.SemaphoreType.DMA,
        ],
    )
    def scatter_k(m_hbm, src_hbm, tgt_hbm, init_hbm, out_hbm,
                  tgt_v, src_v, rows0, rows1, rows2, rows3, rows4, acc,
                  semg0, semg1, semg2, semg3, semg4):
        c = lax.axis_index("c")
        s = lax.axis_index("s")
        wid = s * NC + c

        cp_t = pltpu.async_copy(tgt_hbm.at[wid], tgt_v, semg0)
        cp_s = pltpu.async_copy(src_hbm.at[wid], src_v, semg1)

        rbase = s * R_PER_T
        pltpu.sync_copy(init_hbm.at[pl.ds(rbase, R_PER_T)],
                        acc.at[pl.ds(rbase, R_PER_T)])
        cp_t.wait()
        cp_s.wait()
        plsc.subcore_barrier()

        def wait_g(buf, sem):
            pltpu.make_async_copy(m_hbm.at[pl.ds(0, B)], buf, sem).wait()

        def wait_s(buf, sem):
            pltpu.make_async_copy(buf, acc.at[pl.ds(0, B)], sem).wait()

        def tslice(ref, i):
            return ref.at[pl.ds(i * B, B)]

        bufs = [(rows0, semg0), (rows1, semg1), (rows2, semg2),
                (rows3, semg3), (rows4, semg4)]
        ND = len(bufs)
        for j, (buf, sem) in enumerate(bufs):
            pltpu.async_copy(m_hbm.at[tslice(tgt_v, j)], buf, sem)

        def quad(t, carry):
            i = ND * t
            for j, (buf, sem) in enumerate(bufs):
                wait_g(buf, sem)
                pltpu.sync_copy(buf, acc.at[tslice(src_v, i + j)], add=True)

                @pl.when(i + j + ND < FULL_STEPS)
                def _():
                    pltpu.async_copy(
                        m_hbm.at[tslice(tgt_v, i + j + ND)], buf, sem)

            return carry

        lax.fori_loop(0, FULL_STEPS // ND, quad, 0)
        plsc.subcore_barrier()

        pltpu.sync_copy(acc.at[pl.ds(rbase, R_PER_T)],
                        out_hbm.at[c, pl.ds(rbase, R_PER_T)])

    return scatter_k


_scatter_k = _make_scatter()


def _add_body(x_ref, p_ref, o_ref):
    o_ref[...] = x_ref[...] + p_ref[0] + p_ref[1]


def _combine(x, p):
    blk = 1000
    return pl.pallas_call(
        _add_body,
        grid=(N // blk,),
        in_specs=[
            pl.BlockSpec((blk, D), lambda i: (i, 0)),
            pl.BlockSpec((NC, blk, D), lambda i: (0, i, 0)),
        ],
        out_specs=pl.BlockSpec((blk, D), lambda i: (i, 0)),
        out_shape=jax.ShapeDtypeStruct((N, D), jnp.float32),
    )(x, p)


def kernel(input, edge_sources, edge_targets, distance_nbr, W):
    x = input
    m = _msg(x, W.T)
    src = edge_sources.astype(jnp.int32).reshape(NW, E_PER_W)
    tgt = edge_targets.astype(jnp.int32).reshape(NW, E_PER_W)
    init = jnp.zeros((NP, D), jnp.float32)
    p = _scatter_k(m, src, tgt, init)
    return _combine(x, p)

# --- scband reference (transcript-rebuilt; emitter-appended) ---
"""Pipeline reference for scband-gated-graph-convolution-34754875359431 (READ-ONLY COPY).

The authoritative reference and input builder live on the scoring server;
editing this copy changes nothing except your own understanding.
"""

import jax, jax.numpy as jnp
import numpy as np

N_NODES = 10000
N_EDGES = 320000
D_FEAT = 128
D_EDGE = 16

def setup_inputs(seed: int = 0) -> dict:
    key = jax.random.key(seed)
    k1, k2, k3, k4, k5 = jax.random.split(key, 5)
    input = jax.random.normal(k1, (N_NODES, D_FEAT), dtype=jnp.float32)
    edge_sources = jax.random.randint(k2, (N_EDGES,), 0, N_NODES, dtype=jnp.int64) if jax.config.jax_enable_x64 else jax.random.randint(k2, (N_EDGES,), 0, N_NODES, dtype=jnp.int32)
    edge_targets = jax.random.randint(k3, (N_EDGES,), 0, N_NODES, dtype=jnp.int32)
    distance_nbr = jax.random.normal(k4, (N_EDGES, D_EDGE), dtype=jnp.float32)
    # learned params: self.linear = Linear(in_features=128, 2*out_features=256, bias=False)
    W = jax.random.normal(k5, (2 * D_FEAT, D_FEAT), dtype=jnp.float32) * (1.0 / np.sqrt(D_FEAT))
    return {"input": input, "edge_sources": edge_sources, "edge_targets": edge_targets, "distance_nbr": distance_nbr, "W": W}

def reference(input, edge_sources, edge_targets, distance_nbr, W):
    # GatedGraphConvolution.forward with edge_network=None, use_distance_nbr=False,
    # use_attention=False, postconv_network=None, no batch norms / activations.
    h = input[edge_targets]                 # gather [E, d]
    e = h @ W.T                             # Linear(in, 2*out), no bias -> [E, 2*out]
    g, e2 = jnp.split(e, 2, axis=1)         # torch.chunk(e, 2, dim=1)
    g = jax.nn.sigmoid(g)                   # gate_activation = Sigmoid()
    # output = input.clone(); output.index_add_(0, edge_sources, g * e)
    output = input.at[edge_sources].add(g * e2)
    return output

if __name__ == "__main__":
    import jax
    _d = setup_inputs()
    print(jax.jit(kernel)(*tuple(_d.values())))

</pallas_src>

<mosaic_0001>
#map = affine_map<(d0, d1) -> (0, 0)>
#map1 = affine_map<(d0, d1) -> (0, 0, 0)>
module attributes {stable_mosaic.version = 14 : i64} {
  func.func @scatter_k(%arg0: i32, %arg1: i32, %arg2: memref<10000x128xf32, #tpu.memory_space<hbm>>, %arg3: memref<32x10000xi32, #tpu.memory_space<hbm>>, %arg4: memref<32x10000xi32, #tpu.memory_space<hbm>>, %arg5: memref<10240x128xf32, #tpu.memory_space<hbm>>, %arg6: memref<2x10240x128xf32, #tpu.memory_space<hbm>>, %arg7: memref<10000xi32, #tpu.memory_space<vmem>>, %arg8: memref<10000xi32, #tpu.memory_space<vmem>>, %arg9: memref<40x128xf32, #tpu.memory_space<vmem>>, %arg10: memref<40x128xf32, #tpu.memory_space<vmem>>, %arg11: memref<40x128xf32, #tpu.memory_space<vmem>>, %arg12: memref<40x128xf32, #tpu.memory_space<vmem>>, %arg13: memref<40x128xf32, #tpu.memory_space<vmem>>, %arg14: memref<10240x128xf32, #tpu.memory_space<vmem_shared>>, %arg15: memref<!tpu.dma_semaphore, #tpu.memory_space<semaphore_mem>>, %arg16: memref<!tpu.dma_semaphore, #tpu.memory_space<semaphore_mem>>, %arg17: memref<!tpu.dma_semaphore, #tpu.memory_space<semaphore_mem>>, %arg18: memref<!tpu.dma_semaphore, #tpu.memory_space<semaphore_mem>>, %arg19: memref<!tpu.dma_semaphore, #tpu.memory_space<semaphore_mem>>) attributes {dimension_semantics = [#tpu.dimension_semantics<core_parallel>, #tpu.dimension_semantics<subcore_parallel>], iteration_bounds = array<i64: 2, 16>, scalar_prefetch = 0 : i64, scratch_operands = 13 : i64, tpu.core_type = #tpu.core_type<sc_vector_subcore>, window_params = [{transform_indices = #map}, {transform_indices = #map}, {transform_indices = #map}, {transform_indices = #map}, {transform_indices = #map1}]} {
    %mul3A = arith.constant 2 : i32
    %mul3A_0 = arith.muli %arg1, %mul3A : i32
    %add3A = arith.addi %mul3A_0, %arg0 : i32
    %dma_start3A = arith.constant 0 : i32
    %dma_start3A_1 = tpu.memref_slice %arg4[%add3A, %dma_start3A] : memref<32x10000xi32, #tpu.memory_space<hbm>> -> memref<1x10000xi32, #tpu.memory_space<hbm>>
    %dma_start3A_2 = tpu.memref_squeeze %dma_start3A_1 : memref<1x10000xi32, #tpu.memory_space<hbm>> -> memref<10000xi32, #tpu.memory_space<hbm>>
    %dma_start3A_3 = arith.constant 0 : i32
    %dma_start3A_4 = tpu.memref_slice %arg4[%add3A, %dma_start3A_3] : memref<32x10000xi32, #tpu.memory_space<hbm>> -> memref<1x10000xi32, #tpu.memory_space<hbm>>
    %dma_start3A_5 = tpu.memref_squeeze %dma_start3A_4 : memref<1x10000xi32, #tpu.memory_space<hbm>> -> memref<10000xi32, #tpu.memory_space<hbm>>
    tpu.enqueue_dma source(%dma_start3A_5 : memref<10000xi32, #tpu.memory_space<hbm>>) target(%arg7 : memref<10000xi32, #tpu.memory_space<vmem>>) target_semaphore(%arg15 : memref<!tpu.dma_semaphore, #tpu.memory_space<semaphore_mem>>)
    %dma_start3A_6 = arith.constant 0 : i32
    %dma_start3A_7 = tpu.memref_slice %arg3[%add3A, %dma_start3A_6] : memref<32x10000xi32, #tpu.memory_space<hbm>> -> memref<1x10000xi32, #tpu.memory_space<hbm>>
    %dma_start3A_8 = tpu.memref_squeeze %dma_start3A_7 : memref<1x10000xi32, #tpu.memory_space<hbm>> -> memref<10000xi32, #tpu.memory_space<hbm>>
    %dma_start3A_9 = arith.constant 0 : i32
    %dma_start3A_10 = tpu.memref_slice %arg3[%add3A, %dma_start3A_9] : memref<32x10000xi32, #tpu.memory_space<hbm>> -> memref<1x10000xi32, #tpu.memory_space<hbm>>
    %dma_start3A_11 = tpu.memref_squeeze %dma_start3A_10 : memref<1x10000xi32, #tpu.memory_space<hbm>> -> memref<10000xi32, #tpu.memory_space<hbm>>
    tpu.enqueue_dma source(%dma_start3A_11 : memref<10000xi32, #tpu.memory_space<hbm>>) target(%arg8 : memref<10000xi32, #tpu.memory_space<vmem>>) target_semaphore(%arg16 : memref<!tpu.dma_semaphore, #tpu.memory_space<semaphore_mem>>)
    %mul3A_12 = arith.constant 640 : i32
    %mul3A_13 = arith.muli %arg1, %mul3A_12 : i32
    "tpu.region"() ({
      %run_scoped3A = tpu.sem_alloc : memref<!tpu.dma_semaphore, #tpu.memory_space<semaphore_mem>>
      %dma_start3A_56 = arith.constant 0 : i32
      %dma_start3A_57 = tpu.memref_slice %arg14[%mul3A_13, %dma_start3A_56] : memref<10240x128xf32, #tpu.memory_space<vmem_shared>> -> memref<640x128xf32, #tpu.memory_space<vmem_shared>>
      %dma_start3A_58 = arith.constant 0 : i32
      %dma_start3A_59 = tpu.memref_slice %arg5[%mul3A_13, %dma_start3A_58] : memref<10240x128xf32, #tpu.memory_space<hbm>> -> memref<640x128xf32, #tpu.memory_space<hbm>>
      tpu.enqueue_dma source(%dma_start3A_59 : memref<640x128xf32, #tpu.memory_space<hbm>>) target(%dma_start3A_57 : memref<640x128xf32, #tpu.memory_space<vmem_shared>>) target_semaphore(%run_scoped3A : memref<!tpu.dma_semaphore, #tpu.memory_space<semaphore_mem>>)
      %dma_wait3A_60 = arith.constant 0 : i32
      %dma_wait3A_61 = tpu.memref_slice %arg14[%mul3A_13, %dma_wait3A_60] : memref<10240x128xf32, #tpu.memory_space<vmem_shared>> -> memref<640x128xf32, #tpu.memory_space<vmem_shared>>
      %dma_wait3A_62 = arith.constant 0 : i32
      %dma_wait3A_63 = tpu.memref_slice %arg5[%mul3A_13, %dma_wait3A_62] : memref<10240x128xf32, #tpu.memory_space<hbm>> -> memref<640x128xf32, #tpu.memory_space<hbm>>
      tpu.wait_dma2 semaphore(%run_scoped3A : memref<!tpu.dma_semaphore, #tpu.memory_space<semaphore_mem>>) src(%dma_wait3A_63 : memref<640x128xf32, #tpu.memory_space<hbm>>) dst(%dma_wait3A_61 : memref<640x128xf32, #tpu.memory_space<vmem_shared>>)
      tpu.yield
    }) : () -> ()
    %dma_wait3A = arith.constant 0 : i32
    %dma_wait3A_14 = tpu.memref_slice %arg4[%add3A, %dma_wait3A] : memref<32x10000xi32, #tpu.memory_space<hbm>> -> memref<1x10000xi32, #tpu.memory_space<hbm>>
    %dma_wait3A_15 = tpu.memref_squeeze %dma_wait3A_14 : memref<1x10000xi32, #tpu.memory_space<hbm>> -> memref<10000xi32, #tpu.memory_space<hbm>>
    %dma_wait3A_16 = arith.constant 0 : i32
    %dma_wait3A_17 = tpu.memref_slice %arg4[%add3A, %dma_wait3A_16] : memref<32x10000xi32, #tpu.memory_space<hbm>> -> memref<1x10000xi32, #tpu.memory_space<hbm>>
    %dma_wait3A_18 = tpu.memref_squeeze %dma_wait3A_17 : memref<1x10000xi32, #tpu.memory_space<hbm>> -> memref<10000xi32, #tpu.memory_space<hbm>>
    tpu.wait_dma2 semaphore(%arg15 : memref<!tpu.dma_semaphore, #tpu.memory_space<semaphore_mem>>) src(%dma_wait3A_18 : memref<10000xi32, #tpu.memory_space<hbm>>) dst(%arg7 : memref<10000xi32, #tpu.memory_space<vmem>>)
    %dma_wait3A_19 = arith.constant 0 : i32
    %dma_wait3A_20 = tpu.memref_slice %arg3[%add3A, %dma_wait3A_19] : memref<32x10000xi32, #tpu.memory_space<hbm>> -> memref<1x10000xi32, #tpu.memory_space<hbm>>
    %dma_wait3A_21 = tpu.memref_squeeze %dma_wait3A_20 : memref<1x10000xi32, #tpu.memory_space<hbm>> -> memref<10000xi32, #tpu.memory_space<hbm>>
    %dma_wait3A_22 = arith.constant 0 : i32
    %dma_wait3A_23 = tpu.memref_slice %arg3[%add3A, %dma_wait3A_22] : memref<32x10000xi32, #tpu.memory_space<hbm>> -> memref<1x10000xi32, #tpu.memory_space<hbm>>
    %dma_wait3A_24 = tpu.memref_squeeze %dma_wait3A_23 : memref<1x10000xi32, #tpu.memory_space<hbm>> -> memref<10000xi32, #tpu.memory_space<hbm>>
    tpu.wait_dma2 semaphore(%arg16 : memref<!tpu.dma_semaphore, #tpu.memory_space<semaphore_mem>>) src(%dma_wait3A_24 : memref<10000xi32, #tpu.memory_space<hbm>>) dst(%arg8 : memref<10000xi32, #tpu.memory_space<vmem>>)
    %barrier3A = arith.constant 0 : index
    tpu.barrier barrier_id(%barrier3A)
    %dma_start3A_25 = arith.constant 0 : i32
    %dma_start3A_26 = tpu.memref_slice %arg7[%dma_start3A_25] : memref<10000xi32, #tpu.memory_space<vmem>> -> memref<40xi32, #tpu.memory_space<vmem>>
    %dma_start3A_27 = arith.constant 0 : i32
    %dma_start3A_28 = arith.constant 0 : i32
    %dma_start3A_29 = tpu.memref_slice %arg2[%dma_start3A_27, %dma_start3A_28] : memref<10000x128xf32, #tpu.memory_space<hbm>> -> memref<10000x128xf32, #tpu.memory_space<hbm>>
    tpu.enqueue_indirect_dma source(%dma_start3A_29 : memref<10000x128xf32, #tpu.memory_space<hbm>>) target(%arg9 : memref<40x128xf32, #tpu.memory_space<vmem>>) offsets(%dma_start3A_26 : memref<40xi32, #tpu.memory_space<vmem>>) semaphore(%arg15 : memref<!tpu.dma_semaphore, #tpu.memory_space<semaphore_mem>>)
    %dma_start3A_30 = arith.constant 40 : i32
    %dma_start3A_31 = tpu.memref_slice %arg7[%dma_start3A_30] : memref<10000xi32, #tpu.memory_space<vmem>> -> memref<40xi32, #tpu.memory_space<vmem>>
    %dma_start3A_32 = arith.constant 0 : i32
    %dma_start3A_33 = arith.constant 0 : i32
    %dma_start3A_34 = tpu.memref_slice %arg2[%dma_start3A_32, %dma_start3A_33] : memref<10000x128xf32, #tpu.memory_space<hbm>> -> memref<10000x128xf32, #tpu.memory_space<hbm>>
    tpu.enqueue_indirect_dma source(%dma_start3A_34 : memref<10000x128xf32, #tpu.memory_space<hbm>>) target(%arg10 : memref<40x128xf32, #tpu.memory_space<vmem>>) offsets(%dma_start3A_31 : memref<40xi32, #tpu.memory_space<vmem>>) semaphore(%arg16 : memref<!tpu.dma_semaphore, #tpu.memory_space<semaphore_mem>>)
    %dma_start3A_35 = arith.constant 80 : i32
    %dma_start3A_36 = tpu.memref_slice %arg7[%dma_start3A_35] : memref<10000xi32, #tpu.memory_space<vmem>> -> memref<40xi32, #tpu.memory_space<vmem>>
    %dma_start3A_37 = arith.constant 0 : i32
    %dma_start3A_38 = arith.constant 0 : i32
    %dma_start3A_39 = tpu.memref_slice %arg2[%dma_start3A_37, %dma_start3A_38] : memref<10000x128xf32, #tpu.memory_space<hbm>> -> memref<10000x128xf32, #tpu.memory_space<hbm>>
    tpu.enqueue_indirect_dma source(%dma_start3A_39 : memref<10000x128xf32, #tpu.memory_space<hbm>>) target(%arg11 : memref<40x128xf32, #tpu.memory_space<vmem>>) offsets(%dma_start3A_36 : memref<40xi32, #tpu.memory_space<vmem>>) semaphore(%arg17 : memref<!tpu.dma_semaphore, #tpu.memory_space<semaphore_mem>>)
    %dma_start3A_40 = arith.constant 120 : i32
    %dma_start3A_41 = tpu.memref_slice %arg7[%dma_start3A_40] : memref<10000xi32, #tpu.memory_space<vmem>> -> memref<40xi32, #tpu.memory_space<vmem>>
    %dma_start3A_42 = arith.constant 0 : i32
    %dma_start3A_43 = arith.constant 0 : i32
    %dma_start3A_44 = tpu.memref_slice %arg2[%dma_start3A_42, %dma_start3A_43] : memref<10000x128xf32, #tpu.memory_space<hbm>> -> memref<10000x128xf32, #tpu.memory_space<hbm>>
    tpu.enqueue_indirect_dma source(%dma_start3A_44 : memref<10000x128xf32, #tpu.memory_space<hbm>>) target(%arg12 : memref<40x128xf32, #tpu.memory_space<vmem>>) offsets(%dma_start3A_41 : memref<40xi32, #tpu.memory_space<vmem>>) semaphore(%arg18 : memref<!tpu.dma_semaphore, #tpu.memory_space<semaphore_mem>>)
    %dma_start3A_45 = arith.constant 160 : i32
    %dma_start3A_46 = tpu.memref_slice %arg7[%dma_start3A_45] : memref<10000xi32, #tpu.memory_space<vmem>> -> memref<40xi32, #tpu.memory_space<vmem>>
    %dma_start3A_47 = arith.constant 0 : i32
    %dma_start3A_48 = arith.constant 0 : i32
    %dma_start3A_49 = tpu.memref_slice %arg2[%dma_start3A_47, %dma_start3A_48] : memref<10000x128xf32, #tpu.memory_space<hbm>> -> memref<10000x128xf32, #tpu.memory_space<hbm>>
    tpu.enqueue_indirect_dma source(%dma_start3A_49 : memref<10000x128xf32, #tpu.memory_space<hbm>>) target(%arg13 : memref<40x128xf32, #tpu.memory_space<vmem>>) offsets(%dma_start3A_46 : memref<40xi32, #tpu.memory_space<vmem>>) semaphore(%arg19 : memref<!tpu.dma_semaphore, #tpu.memory_space<semaphore_mem>>)
    %scan3A = arith.constant 0 : i32
    %scan3A_50 = arith.constant 0 : i32
    %scan3A_51 = arith.constant 50 : i32
    %scan3A_52 = arith.addi %scan3A_50, %scan3A_51 : i32
    %scan3A_53 = arith.constant 1 : i32
    scf.for %scan3A_56 = %scan3A_50 to %scan3A_52 step %scan3A_53  : i32 {
      %mul3A_57 = arith.constant 5 : i32
      %mul3A_58 = arith.muli %mul3A_57, %scan3A_56 : i32
      %dma_wait3A_59 = arith.constant 0 : i32
      %dma_wait3A_60 = arith.constant 0 : i32
      %dma_wait3A_61 = tpu.memref_slice %arg2[%dma_wait3A_59, %dma_wait3A_60] : memref<10000x128xf32, #tpu.memory_space<hbm>> -> memref<40x128xf32, #tpu.memory_space<hbm>>
      %dma_wait3A_62 = arith.constant 0 : i32
      %dma_wait3A_63 = arith.constant 0 : i32
      %dma_wait3A_64 = tpu.memref_slice %arg2[%dma_wait3A_62, %dma_wait3A_63] : memref<10000x128xf32, #tpu.memory_space<hbm>> -> memref<40x128xf32, #tpu.memory_space<hbm>>
      tpu.wait_dma2 semaphore(%arg15 : memref<!tpu.dma_semaphore, #tpu.memory_space<semaphore_mem>>) src(%dma_wait3A_64 : memref<40x128xf32, #tpu.memory_space<hbm>>) dst(%arg9 : memref<40x128xf32, #tpu.memory_space<vmem>>)
      %add3A_65 = arith.constant 0 : i32
      %add3A_66 = arith.addi %mul3A_58, %add3A_65 : i32
      %mul3A_67 = arith.constant 40 : i32
      %mul3A_68 = arith.muli %add3A_66, %mul3A_67 : i32
      "tpu.region"() ({
        %run_scoped3A = tpu.sem_alloc : memref<!tpu.dma_semaphore, #tpu.memory_space<semaphore_mem>>
        %dma_start3A_151 = tpu.memref_slice %arg8[%mul3A_68] : memref<10000xi32, #tpu.memory_space<vmem>> -> memref<40xi32, #tpu.memory_space<vmem>>
        %dma_start3A_152 = arith.constant 0 : i32
        %dma_start3A_153 = arith.constant 0 : i32
        %dma_start3A_154 = tpu.memref_slice %arg14[%dma_start3A_152, %dma_start3A_153] : memref<10240x128xf32, #tpu.memory_space<vmem_shared>> -> memref<10240x128xf32, #tpu.memory_space<vmem_shared>>
        tpu.enqueue_indirect_dma source(%arg9 : memref<40x128xf32, #tpu.memory_space<vmem>>) target(%dma_start3A_154 : memref<10240x128xf32, #tpu.memory_space<vmem_shared>>) offsets(%dma_start3A_151 : memref<40xi32, #tpu.memory_space<vmem>>) semaphore(%run_scoped3A : memref<!tpu.dma_semaphore, #tpu.memory_space<semaphore_mem>>) {add = true}
        %dma_wait3A_155 = tpu.memref_slice %arg8[%mul3A_68] : memref<10000xi32, #tpu.memory_space<vmem>> -> memref<40xi32, #tpu.memory_space<vmem>>
        %dma_wait3A_156 = arith.constant 0 : i32
        %dma_wait3A_157 = arith.constant 0 : i32
        %dma_wait3A_158 = tpu.memref_slice %arg14[%dma_wait3A_156, %dma_wait3A_157] : memref<10240x128xf32, #tpu.memory_space<vmem_shared>> -> memref<10240x128xf32, #tpu.memory_space<vmem_shared>>
        tpu.wait_indirect_dma semaphore(%run_scoped3A : memref<!tpu.dma_semaphore, #tpu.memory_space<semaphore_mem>>) src(%arg9 : memref<40x128xf32, #tpu.memory_space<vmem>>) dst(%dma_wait3A_158 : memref<10240x128xf32, #tpu.memory_space<vmem_shared>>)
        tpu.yield
      }) : () -> ()
      %add3A_69 = arith.constant 0 : i32
      %add3A_70 = arith.addi %mul3A_58, %add3A_69 : i32
      %add3A_71 = arith.constant 5 : i32
      %add3A_72 = arith.addi %add3A_70, %add3A_71 : i32
      %lt3A = arith.constant 250 : i32
      %lt3A_73 = arith.cmpi slt, %add3A_72, %lt3A : i32
      %convert_element_type3A = arith.extui %lt3A_73 : i1 to i32
      %cond3A = arith.constant 0 : i32
      %cond3A_74 = arith.cmpi ne, %convert_element_type3A, %cond3A : i32
      scf.if %cond3A_74 {
        %add3A_151 = arith.constant 0 : i32
        %add3A_152 = arith.addi %mul3A_58, %add3A_151 : i32
        %add3A_153 = arith.constant 5 : i32
        %add3A_154 = arith.addi %add3A_152, %add3A_153 : i32
        %mul3A_155 = arith.constant 40 : i32
        %mul3A_156 = arith.muli %add3A_154, %mul3A_155 : i32
        %dma_start3A_157 = tpu.memref_slice %arg7[%mul3A_156] : memref<10000xi32, #tpu.memory_space<vmem>> -> memref<40xi32, #tpu.memory_space<vmem>>
        %dma_start3A_158 = arith.constant 0 : i32
        %dma_start3A_159 = arith.constant 0 : i32
        %dma_start3A_160 = tpu.memref_slice %arg2[%dma_start3A_158, %dma_start3A_159] : memref<10000x128xf32, #tpu.memory_space<hbm>> -> memref<10000x128xf32, #tpu.memory_space<hbm>>
        tpu.enqueue_indirect_dma source(%dma_start3A_160 : memref<10000x128xf32, #tpu.memory_space<hbm>>) target(%arg9 : memref<40x128xf32, #tpu.memory_space<vmem>>) offsets(%dma_start3A_157 : memref<40xi32, #tpu.memory_space<vmem>>) semaphore(%arg15 : memref<!tpu.dma_semaphore, #tpu.memory_space<semaphore_mem>>)
      } else {
      }
      %dma_wait3A_75 = arith.constant 0 : i32
      %dma_wait3A_76 = arith.constant 0 : i32
      %dma_wait3A_77 = tpu.memref_slice %arg2[%dma_wait3A_75, %dma_wait3A_76] : memref<10000x128xf32, #tpu.memory_space<hbm>> -> memref<40x128xf32, #tpu.memory_space<hbm>>
      %dma_wait3A_78 = arith.constant 0 : i32
      %dma_wait3A_79 = arith.constant 0 : i32
      %dma_wait3A_80 = tpu.memref_slice %arg2[%dma_wait3A_78, %dma_wait3A_79] : memref<10000x128xf32, #tpu.memory_space<hbm>> -> memref<40x128xf32, #tpu.memory_space<hbm>>
      tpu.wait_dma2 semaphore(%arg16 : memref<!tpu.dma_semaphore, #tpu.memory_space<semaphore_mem>>) src(%dma_wait3A_80 : memref<40x128xf32, #tpu.memory_space<hbm>>) dst(%arg10 : memref<40x128xf32, #tpu.memory_space<vmem>>)
      %add3A_81 = arith.constant 1 : i32
      %add3A_82 = arith.addi %mul3A_58, %add3A_81 : i32
      %mul3A_83 = arith.constant 40 : i32
      %mul3A_84 = arith.muli %add3A_82, %mul3A_83 : i32
      "tpu.region"() ({
        %run_scoped3A = tpu.sem_alloc : memref<!tpu.dma_semaphore, #tpu.memory_space<semaphore_mem>>
        %dma_start3A_151 = tpu.memref_slice %arg8[%mul3A_84] : memref<10000xi32, #tpu.memory_space<vmem>> -> memref<40xi32, #tpu.memory_space<vmem>>
        %dma_start3A_152 = arith.constant 0 : i32
        %dma_start3A_153 = arith.constant 0 : i32
        %dma_start3A_154 = tpu.memref_slice %arg14[%dma_start3A_152, %dma_start3A_153] : memref<10240x128xf32, #tpu.memory_space<vmem_shared>> -> memref<10240x128xf32, #tpu.memory_space<vmem_shared>>
        tpu.enqueue_indirect_dma source(%arg10 : memref<40x128xf32, #tpu.memory_space<vmem>>) target(%dma_start3A_154 : memref<10240x128xf32, #tpu.memory_space<vmem_shared>>) offsets(%dma_start3A_151 : memref<40xi32, #tpu.memory_space<vmem>>) semaphore(%run_scoped3A : memref<!tpu.dma_semaphore, #tpu.memory_space<semaphore_mem>>) {add = true}
        %dma_wait3A_155 = tpu.memref_slice %arg8[%mul3A_84] : memref<10000xi32, #tpu.memory_space<vmem>> -> memref<40xi32, #tpu.memory_space<vmem>>
        %dma_wait3A_156 = arith.constant 0 : i32
        %dma_wait3A_157 = arith.constant 0 : i32
        %dma_wait3A_158 = tpu.memref_slice %arg14[%dma_wait3A_156, %dma_wait3A_157] : memref<10240x128xf32, #tpu.memory_space<vmem_shared>> -> memref<10240x128xf32, #tpu.memory_space<vmem_shared>>
        tpu.wait_indirect_dma semaphore(%run_scoped3A : memref<!tpu.dma_semaphore, #tpu.memory_space<semaphore_mem>>) src(%arg10 : memref<40x128xf32, #tpu.memory_space<vmem>>) dst(%dma_wait3A_158 : memref<10240x128xf32, #tpu.memory_space<vmem_shared>>)
        tpu.yield
      }) : () -> ()
      %add3A_85 = arith.constant 1 : i32
      %add3A_86 = arith.addi %mul3A_58, %add3A_85 : i32
      %add3A_87 = arith.constant 5 : i32
      %add3A_88 = arith.addi %add3A_86, %add3A_87 : i32
      %lt3A_89 = arith.constant 250 : i32
      %lt3A_90 = arith.cmpi slt, %add3A_88, %lt3A_89 : i32
      %convert_element_type3A_91 = arith.extui %lt3A_90 : i1 to i32
      %cond3A_92 = arith.constant 0 : i32
      %cond3A_93 = arith.cmpi ne, %convert_element_type3A_91, %cond3A_92 : i32
      scf.if %cond3A_93 {
        %add3A_151 = arith.constant 1 : i32
        %add3A_152 = arith.addi %mul3A_58, %add3A_151 : i32
        %add3A_153 = arith.constant 5 : i32
        %add3A_154 = arith.addi %add3A_152, %add3A_153 : i32
        %mul3A_155 = arith.constant 40 : i32
        %mul3A_156 = arith.muli %add3A_154, %mul3A_155 : i32
        %dma_start3A_157 = tpu.memref_slice %arg7[%mul3A_156] : memref<10000xi32, #tpu.memory_space<vmem>> -> memref<40xi32, #tpu.memory_space<vmem>>
        %dma_start3A_158 = arith.constant 0 : i32
        %dma_start3A_159 = arith.constant 0 : i32
        %dma_start3A_160 = tpu.memref_slice %arg2[%dma_start3A_158, %dma_start3A_159] : memref<10000x128xf32, #tpu.memory_space<hbm>> -> memref<10000x128xf32, #tpu.memory_space<hbm>>
        tpu.enqueue_indirect_dma source(%dma_start3A_160 : memref<10000x128xf32, #tpu.memory_space<hbm>>) target(%arg10 : memref<40x128xf32, #tpu.memory_space<vmem>>) offsets(%dma_start3A_157 : memref<40xi32, #tpu.memory_space<vmem>>) semaphore(%arg16 : memref<!tpu.dma_semaphore, #tpu.memory_space<semaphore_mem>>)
      } else {
      }
      %dma_wait3A_94 = arith.constant 0 : i32
      %dma_wait3A_95 = arith.constant 0 : i32
      %dma_wait3A_96 = tpu.memref_slice %arg2[%dma_wait3A_94, %dma_wait3A_95] : memref<10000x128xf32, #tpu.memory_space<hbm>> -> memref<40x128xf32, #tpu.memory_space<hbm>>
      %dma_wait3A_97 = arith.constant 0 : i32
      %dma_wait3A_98 = arith.constant 0 : i32
      %dma_wait3A_99 = tpu.memref_slice %arg2[%dma_wait3A_97, %dma_wait3A_98] : memref<10000x128xf32, #tpu.memory_space<hbm>> -> memref<40x128xf32, #tpu.memory_space<hbm>>
      tpu.wait_dma2 semaphore(%arg17 : memref<!tpu.dma_semaphore, #tpu.memory_space<semaphore_mem>>) src(%dma_wait3A_99 : memref<40x128xf32, #tpu.memory_space<hbm>>) dst(%arg11 : memref<40x128xf32, #tpu.memory_space<vmem>>)
      %add3A_100 = arith.constant 2 : i32
      %add3A_101 = arith.addi %mul3A_58, %add3A_100 : i32
      %mul3A_102 = arith.constant 40 : i32
      %mul3A_103 = arith.muli %add3A_101, %mul3A_102 : i32
      "tpu.region"() ({
        %run_scoped3A = tpu.sem_alloc : memref<!tpu.dma_semaphore, #tpu.memory_space<semaphore_mem>>
        %dma_start3A_151 = tpu.memref_slice %arg8[%mul3A_103] : memref<10000xi32, #tpu.memory_space<vmem>> -> memref<40xi32, #tpu.memory_space<vmem>>
        %dma_start3A_152 = arith.constant 0 : i32
        %dma_start3A_153 = arith.constant 0 : i32
        %dma_start3A_154 = tpu.memref_slice %arg14[%dma_start3A_152, %dma_start3A_153] : memref<10240x128xf32, #tpu.memory_space<vmem_shared>> -> memref<10240x128xf32, #tpu.memory_space<vmem_shared>>
        tpu.enqueue_indirect_dma source(%arg11 : memref<40x128xf32, #tpu.memory_space<vmem>>) target(%dma_start3A_154 : memref<10240x128xf32, #tpu.memory_space<vmem_shared>>) offsets(%dma_start3A_151 : memref<40xi32, #tpu.memory_space<vmem>>) semaphore(%run_scoped3A : memref<!tpu.dma_semaphore, #tpu.memory_space<semaphore_mem>>) {add = true}
        %dma_wait3A_155 = tpu.memref_slice %arg8[%mul3A_103] : memref<10000xi32, #tpu.memory_space<vmem>> -> memref<40xi32, #tpu.memory_space<vmem>>
        %dma_wait3A_156 = arith.constant 0 : i32
        %dma_wait3A_157 = arith.constant 0 : i32
        %dma_wait3A_158 = tpu.memref_slice %arg14[%dma_wait3A_156, %dma_wait3A_157] : memref<10240x128xf32, #tpu.memory_space<vmem_shared>> -> memref<10240x128xf32, #tpu.memory_space<vmem_shared>>
        tpu.wait_indirect_dma semaphore(%run_scoped3A : memref<!tpu.dma_semaphore, #tpu.memory_space<semaphore_mem>>) src(%arg11 : memref<40x128xf32, #tpu.memory_space<vmem>>) dst(%dma_wait3A_158 : memref<10240x128xf32, #tpu.memory_space<vmem_shared>>)
        tpu.yield
      }) : () -> ()
      %add3A_104 = arith.constant 2 : i32
      %add3A_105 = arith.addi %mul3A_58, %add3A_104 : i32
      %add3A_106 = arith.constant 5 : i32
      %add3A_107 = arith.addi %add3A_105, %add3A_106 : i32
      %lt3A_108 = arith.constant 250 : i32
      %lt3A_109 = arith.cmpi slt, %add3A_107, %lt3A_108 : i32
      %convert_element_type3A_110 = arith.extui %lt3A_109 : i1 to i32
      %cond3A_111 = arith.constant 0 : i32
      %cond3A_112 = arith.cmpi ne, %convert_element_type3A_110, %cond3A_111 : i32
      scf.if %cond3A_112 {
        %add3A_151 = arith.constant 2 : i32
        %add3A_152 = arith.addi %mul3A_58, %add3A_151 : i32
        %add3A_153 = arith.constant 5 : i32
        %add3A_154 = arith.addi %add3A_152, %add3A_153 : i32
        %mul3A_155 = arith.constant 40 : i32
        %mul3A_156 = arith.muli %add3A_154, %mul3A_155 : i32
        %dma_start3A_157 = tpu.memref_slice %arg7[%mul3A_156] : memref<10000xi32, #tpu.memory_space<vmem>> -> memref<40xi32, #tpu.memory_space<vmem>>
        %dma_start3A_158 = arith.constant 0 : i32
        %dma_start3A_159 = arith.constant 0 : i32
        %dma_start3A_160 = tpu.memref_slice %arg2[%dma_start3A_158, %dma_start3A_159] : memref<10000x128xf32, #tpu.memory_space<hbm>> -> memref<10000x128xf32, #tpu.memory_space<hbm>>
        tpu.enqueue_indirect_dma source(%dma_start3A_160 : memref<10000x128xf32, #tpu.memory_space<hbm>>) target(%arg11 : memref<40x128xf32, #tpu.memory_space<vmem>>) offsets(%dma_start3A_157 : memref<40xi32, #tpu.memory_space<vmem>>) semaphore(%arg17 : memref<!tpu.dma_semaphore, #tpu.memory_space<semaphore_mem>>)
      } else {
      }
      %dma_wait3A_113 = arith.constant 0 : i32
      %dma_wait3A_114 = arith.constant 0 : i32
      %dma_wait3A_115 = tpu.memref_slice %arg2[%dma_wait3A_113, %dma_wait3A_114] : memref<10000x128xf32, #tpu.memory_space<hbm>> -> memref<40x128xf32, #tpu.memory_space<hbm>>
      %dma_wait3A_116 = arith.constant 0 : i32
      %dma_wait3A_117 = arith.constant 0 : i32
      %dma_wait3A_118 = tpu.memref_slice %arg2[%dma_wait3A_116, %dma_wait3A_117] : memref<10000x128xf32, #tpu.memory_space<hbm>> -> memref<40x128xf32, #tpu.memory_space<hbm>>
      tpu.wait_dma2 semaphore(%arg18 : memref<!tpu.dma_semaphore, #tpu.memory_space<semaphore_mem>>) src(%dma_wait3A_118 : memref<40x128xf32, #tpu.memory_space<hbm>>) dst(%arg12 : memref<40x128xf32, #tpu.memory_space<vmem>>)
      %add3A_119 = arith.constant 3 : i32
      %add3A_120 = arith.addi %mul3A_58, %add3A_119 : i32
      %mul3A_121 = arith.constant 40 : i32
      %mul3A_122 = arith.muli %add3A_120, %mul3A_121 : i32
      "tpu.region"() ({
        %run_scoped3A = tpu.sem_alloc : memref<!tpu.dma_semaphore, #tpu.memory_space<semaphore_mem>>
        %dma_start3A_151 = tpu.memref_slice %arg8[%mul3A_122] : memref<10000xi32, #tpu.memory_space<vmem>> -> memref<40xi32, #tpu.memory_space<vmem>>
        %dma_start3A_152 = arith.constant 0 : i32
        %dma_start3A_153 = arith.constant 0 : i32
        %dma_start3A_154 = tpu.memref_slice %arg14[%dma_start3A_152, %dma_start3A_153] : memref<10240x128xf32, #tpu.memory_space<vmem_shared>> -> memref<10240x128xf32, #tpu.memory_space<vmem_shared>>
        tpu.enqueue_indirect_dma source(%arg12 : memref<40x128xf32, #tpu.memory_space<vmem>>) target(%dma_start3A_154 : memref<10240x128xf32, #tpu.memory_space<vmem_shared>>) offsets(%dma_start3A_151 : memref<40xi32, #tpu.memory_space<vmem>>) semaphore(%run_scoped3A : memref<!tpu.dma_semaphore, #tpu.memory_space<semaphore_mem>>) {add = true}
        %dma_wait3A_155 = tpu.memref_slice %arg8[%mul3A_122] : memref<10000xi32, #tpu.memory_space<vmem>> -> memref<40xi32, #tpu.memory_space<vmem>>
        %dma_wait3A_156 = arith.constant 0 : i32
        %dma_wait3A_157 = arith.constant 0 : i32
        %dma_wait3A_158 = tpu.memref_slice %arg14[%dma_wait3A_156, %dma_wait3A_157] : memref<10240x128xf32, #tpu.memory_space<vmem_shared>> -> memref<10240x128xf32, #tpu.memory_space<vmem_shared>>
        tpu.wait_indirect_dma semaphore(%run_scoped3A : memref<!tpu.dma_semaphore, #tpu.memory_space<semaphore_mem>>) src(%arg12 : memref<40x128xf32, #tpu.memory_space<vmem>>) dst(%dma_wait3A_158 : memref<10240x128xf32, #tpu.memory_space<vmem_shared>>)
        tpu.yield
      }) : () -> ()
      %add3A_123 = arith.constant 3 : i32
      %add3A_124 = arith.addi %mul3A_58, %add3A_123 : i32
      %add3A_125 = arith.constant 5 : i32
      %add3A_126 = arith.addi %add3A_124, %add3A_125 : i32
      %lt3A_127 = arith.constant 250 : i32
      %lt3A_128 = arith.cmpi slt, %add3A_126, %lt3A_127 : i32
      %convert_element_type3A_129 = arith.extui %lt3A_128 : i1 to i32
      %cond3A_130 = arith.constant 0 : i32
      %cond3A_131 = arith.cmpi ne, %convert_element_type3A_129, %cond3A_130 : i32
      scf.if %cond3A_131 {
        %add3A_151 = arith.constant 3 : i32
        %add3A_152 = arith.addi %mul3A_58, %add3A_151 : i32
        %add3A_153 = arith.constant 5 : i32
        %add3A_154 = arith.addi %add3A_152, %add3A_153 : i32
        %mul3A_155 = arith.constant 40 : i32
        %mul3A_156 = arith.muli %add3A_154, %mul3A_155 : i32
        %dma_start3A_157 = tpu.memref_slice %arg7[%mul3A_156] : memref<10000xi32, #tpu.memory_space<vmem>> -> memref<40xi32, #tpu.memory_space<vmem>>
        %dma_start3A_158 = arith.constant 0 : i32
        %dma_start3A_159 = arith.constant 0 : i32
        %dma_start3A_160 = tpu.memref_slice %arg2[%dma_start3A_158, %dma_start3A_159] : memref<10000x128xf32, #tpu.memory_space<hbm>> -> memref<10000x128xf32, #tpu.memory_space<hbm>>
        tpu.enqueue_indirect_dma source(%dma_start3A_160 : memref<10000x128xf32, #tpu.memory_space<hbm>>) target(%arg12 : memref<40x128xf32, #tpu.memory_space<vmem>>) offsets(%dma_start3A_157 : memref<40xi32, #tpu.memory_space<vmem>>) semaphore(%arg18 : memref<!tpu.dma_semaphore, #tpu.memory_space<semaphore_mem>>)
      } else {
      }
      %dma_wait3A_132 = arith.constant 0 : i32
      %dma_wait3A_133 = arith.constant 0 : i32
      %dma_wait3A_134 = tpu.memref_slice %arg2[%dma_wait3A_132, %dma_wait3A_133] : memref<10000x128xf32, #tpu.memory_space<hbm>> -> memref<40x128xf32, #tpu.memory_space<hbm>>
      %dma_wait3A_135 = arith.constant 0 : i32
      %dma_wait3A_136 = arith.constant 0 : i32
      %dma_wait3A_137 = tpu.memref_slice %arg2[%dma_wait3A_135, %dma_wait3A_136] : memref<10000x128xf32, #tpu.memory_space<hbm>> -> memref<40x128xf32, #tpu.memory_space<hbm>>
      tpu.wait_dma2 semaphore(%arg19 : memref<!tpu.dma_semaphore, #tpu.memory_space<semaphore_mem>>) src(%dma_wait3A_137 : memref<40x128xf32, #tpu.memory_space<hbm>>) dst(%arg13 : memref<40x128xf32, #tpu.memory_space<vmem>>)
      %add3A_138 = arith.constant 4 : i32
      %add3A_139 = arith.addi %mul3A_58, %add3A_138 : i32
      %mul3A_140 = arith.constant 40 : i32
      %mul3A_141 = arith.muli %add3A_139, %mul3A_140 : i32
      "tpu.region"() ({
        %run_scoped3A = tpu.sem_alloc : memref<!tpu.dma_semaphore, #tpu.memory_space<semaphore_mem>>
        %dma_start3A_151 = tpu.memref_slice %arg8[%mul3A_141] : memref<10000xi32, #tpu.memory_space<vmem>> -> memref<40xi32, #tpu.memory_space<vmem>>
        %dma_start3A_152 = arith.constant 0 : i32
        %dma_start3A_153 = arith.constant 0 : i32
        %dma_start3A_154 = tpu.memref_slice %arg14[%dma_start3A_152, %dma_start3A_153] : memref<10240x128xf32, #tpu.memory_space<vmem_shared>> -> memref<10240x128xf32, #tpu.memory_space<vmem_shared>>
        tpu.enqueue_indirect_dma source(%arg13 : memref<40x128xf32, #tpu.memory_space<vmem>>) target(%dma_start3A_154 : memref<10240x128xf32, #tpu.memory_space<vmem_shared>>) offsets(%dma_start3A_151 : memref<40xi32, #tpu.memory_space<vmem>>) semaphore(%run_scoped3A : memref<!tpu.dma_semaphore, #tpu.memory_space<semaphore_mem>>) {add = true}
        %dma_wait3A_155 = tpu.memref_slice %arg8[%mul3A_141] : memref<10000xi32, #tpu.memory_space<vmem>> -> memref<40xi32, #tpu.memory_space<vmem>>
        %dma_wait3A_156 = arith.constant 0 : i32
        %dma_wait3A_157 = arith.constant 0 : i32
        %dma_wait3A_158 = tpu.memref_slice %arg14[%dma_wait3A_156, %dma_wait3A_157] : memref<10240x128xf32, #tpu.memory_space<vmem_shared>> -> memref<10240x128xf32, #tpu.memory_space<vmem_shared>>
        tpu.wait_indirect_dma semaphore(%run_scoped3A : memref<!tpu.dma_semaphore, #tpu.memory_space<semaphore_mem>>) src(%arg13 : memref<40x128xf32, #tpu.memory_space<vmem>>) dst(%dma_wait3A_158 : memref<10240x128xf32, #tpu.memory_space<vmem_shared>>)
        tpu.yield
      }) : () -> ()
      %add3A_142 = arith.constant 4 : i32
      %add3A_143 = arith.addi %mul3A_58, %add3A_142 : i32
      %add3A_144 = arith.constant 5 : i32
      %add3A_145 = arith.addi %add3A_143, %add3A_144 : i32
      %lt3A_146 = arith.constant 250 : i32
      %lt3A_147 = arith.cmpi slt, %add3A_145, %lt3A_146 : i32
      %convert_element_type3A_148 = arith.extui %lt3A_147 : i1 to i32
      %cond3A_149 = arith.constant 0 : i32
      %cond3A_150 = arith.cmpi ne, %convert_element_type3A_148, %cond3A_149 : i32
      scf.if %cond3A_150 {
        %add3A_151 = arith.constant 4 : i32
        %add3A_152 = arith.addi %mul3A_58, %add3A_151 : i32
        %add3A_153 = arith.constant 5 : i32
        %add3A_154 = arith.addi %add3A_152, %add3A_153 : i32
        %mul3A_155 = arith.constant 40 : i32
        %mul3A_156 = arith.muli %add3A_154, %mul3A_155 : i32
        %dma_start3A_157 = tpu.memref_slice %arg7[%mul3A_156] : memref<10000xi32, #tpu.memory_space<vmem>> -> memref<40xi32, #tpu.memory_space<vmem>>
        %dma_start3A_158 = arith.constant 0 : i32
        %dma_start3A_159 = arith.constant 0 : i32
        %dma_start3A_160 = tpu.memref_slice %arg2[%dma_start3A_158, %dma_start3A_159] : memref<10000x128xf32, #tpu.memory_space<hbm>> -> memref<10000x128xf32, #tpu.memory_space<hbm>>
        tpu.enqueue_indirect_dma source(%dma_start3A_160 : memref<10000x128xf32, #tpu.memory_space<hbm>>) target(%arg13 : memref<40x128xf32, #tpu.memory_space<vmem>>) offsets(%dma_start3A_157 : memref<40xi32, #tpu.memory_space<vmem>>) semaphore(%arg19 : memref<!tpu.dma_semaphore, #tpu.memory_space<semaphore_mem>>)
      } else {
      }
    }
    %scan3A_54 = arith.constant 50 : i32
    %barrier3A_55 = arith.constant 0 : index
    tpu.barrier barrier_id(%barrier3A_55)
    "tpu.region"() ({
      %run_scoped3A = tpu.sem_alloc : memref<!tpu.dma_semaphore, #tpu.memory_space<semaphore_mem>>
      %dma_start3A_56 = arith.constant 0 : i32
      %dma_start3A_57 = tpu.memref_slice %arg6[%arg0, %mul3A_13, %dma_start3A_56] : memref<2x10240x128xf32, #tpu.memory_space<hbm>> -> memref<1x640x128xf32, #tpu.memory_space<hbm>>
      %dma_start3A_58 = tpu.memref_squeeze %dma_start3A_57 : memref<1x640x128xf32, #tpu.memory_space<hbm>> -> memref<640x128xf32, #tpu.memory_space<hbm>>
      %dma_start3A_59 = arith.constant 0 : i32
      %dma_start3A_60 = tpu.memref_slice %arg14[%mul3A_13, %dma_start3A_59] : memref<10240x128xf32, #tpu.memory_space<vmem_shared>> -> memref<640x128xf32, #tpu.memory_space<vmem_shared>>
      tpu.enqueue_dma source(%dma_start3A_60 : memref<640x128xf32, #tpu.memory_space<vmem_shared>>) target(%dma_start3A_58 : memref<640x128xf32, #tpu.memory_space<hbm>>) target_semaphore(%run_scoped3A : memref<!tpu.dma_semaphore, #tpu.memory_space<semaphore_mem>>)
      %dma_wait3A_61 = arith.constant 0 : i32
      %dma_wait3A_62 = tpu.memref_slice %arg6[%arg0, %mul3A_13, %dma_wait3A_61] : memref<2x10240x128xf32, #tpu.memory_space<hbm>> -> memref<1x640x128xf32, #tpu.memory_space<hbm>>
      %dma_wait3A_63 = tpu.memref_squeeze %dma_wait3A_62 : memref<1x640x128xf32, #tpu.memory_space<hbm>> -> memref<640x128xf32, #tpu.memory_space<hbm>>
      %dma_wait3A_64 = arith.constant 0 : i32
      %dma_wait3A_65 = tpu.memref_slice %arg14[%mul3A_13, %dma_wait3A_64] : memref<10240x128xf32, #tpu.memory_space<vmem_shared>> -> memref<640x128xf32, #tpu.memory_space<vmem_shared>>
      tpu.wait_dma2 semaphore(%run_scoped3A : memref<!tpu.dma_semaphore, #tpu.memory_space<semaphore_mem>>) src(%dma_wait3A_65 : memref<640x128xf32, #tpu.memory_space<vmem_shared>>) dst(%dma_wait3A_63 : memref<640x128xf32, #tpu.memory_space<hbm>>)
      tpu.yield
    }) : () -> ()
    return
  }
}

module attributes {stable_mosaic.version = 14 : i64} {
  func.func @_add_body(%arg0: i32, %arg1: memref<1000x128xf32, #tpu.memory_space<vmem>>, %arg2: memref<2x1000x128xf32, #tpu.memory_space<vmem>>, %arg3: memref<1000x128xf32, #tpu.memory_space<vmem>>) attributes {dimension_semantics = [#tpu.dimension_semantics<arbitrary>], iteration_bounds = array<i64: 10>, scalar_prefetch = 0 : i64, scratch_operands = 0 : i64, tpu.core_type = #tpu.core_type<tc>, window_params = [{transform_indices = @transform_0, window_bounds = array<i64: 1000, 128>}, {transform_indices = @transform_1, window_bounds = array<i64: 2, 1000, 128>}, {transform_indices = @transform_2, window_bounds = array<i64: 1000, 128>}]} {
    %get3A = arith.constant 0 : index
    %get3A_0 = arith.constant 0 : index
    %get3A_1 = vector.load %arg1[%get3A, %get3A_0] : memref<1000x128xf32, #tpu.memory_space<vmem>>, vector<1000x128xf32>
    %get3A_2 = arith.constant 0 : index
    %get3A_3 = arith.constant 0 : index
    %get3A_4 = arith.constant 0 : index
    %get3A_5 = vector.load %arg2[%get3A_2, %get3A_3, %get3A_4] : memref<2x1000x128xf32, #tpu.memory_space<vmem>>, vector<1x1000x128xf32>
    %get3A_6 = vector.shape_cast %get3A_5 : vector<1x1000x128xf32> to vector<1000x128xf32>
    %add3A = arith.addf %get3A_1, %get3A_6 : vector<1000x128xf32>
    %get3A_7 = arith.constant 1 : index
    %get3A_8 = arith.constant 0 : index
    %get3A_9 = arith.constant 0 : index
    %get3A_10 = vector.load %arg2[%get3A_7, %get3A_8, %get3A_9] : memref<2x1000x128xf32, #tpu.memory_space<vmem>>, vector<1x1000x128xf32>
    %get3A_11 = vector.shape_cast %get3A_10 : vector<1x1000x128xf32> to vector<1000x128xf32>
    %add3A_12 = arith.addf %add3A, %get3A_11 : vector<1000x128xf32>
    %swap3A = arith.constant 0 : index
    %swap3A_13 = arith.constant 0 : index
    %swap3A_14 = vector.load %arg3[%swap3A, %swap3A_13] : memref<1000x128xf32, #tpu.memory_space<vmem>>, vector<1000x128xf32>
    tpu.vector_store %arg3[%swap3A, %swap3A_13], %add3A_12 {strides = array<i32>} : memref<1000x128xf32, #tpu.memory_space<vmem>>, vector<1000x128xf32>,
    return
  }
  func.func @transform_0(%arg0: i32) -> (i32, i32) {
    %c0_i32 = arith.constant 0 : i32
    %c0_i32_0 = arith.constant 0 : i32
    return %arg0, %c0_i32 : i32, i32
  }
  func.func @transform_1(%arg0: i32) -> (i32, i32, i32) {
    %c0_i32 = arith.constant 0 : i32
    %c0_i32_0 = arith.constant 0 : i32
    %c0_i32_1 = arith.constant 0 : i32
    return %c0_i32, %arg0, %c0_i32_0 : i32, i32, i32
  }
  func.func @transform_2(%arg0: i32) -> (i32, i32) {
    %c0_i32 = arith.constant 0 : i32
    %c0_i32_0 = arith.constant 0 : i32
    return %arg0, %c0_i32 : i32, i32
  }
}

module attributes {stable_mosaic.version = 14 : i64} {
  func.func @_msg_body(%arg0: i32, %arg1: memref<1000x128xf32, #tpu.memory_space<vmem>>, %arg2: memref<128x256xf32, #tpu.memory_space<vmem>>, %arg3: memref<1000x128xf32, #tpu.memory_space<vmem>>) attributes {dimension_semantics = [#tpu.dimension_semantics<arbitrary>], iteration_bounds = array<i64: 10>, scalar_prefetch = 0 : i64, scratch_operands = 0 : i64, tpu.core_type = #tpu.core_type<tc>, window_params = [{transform_indices = @transform_0, window_bounds = array<i64: 1000, 128>}, {pipeline_mode = #tpu.pipeline_mode<synchronous>, transform_indices = @transform_1, window_bounds = array<i64: 128, 256>}, {transform_indices = @transform_2, window_bounds = array<i64: 1000, 128>}]} {
    %get3A = arith.constant 0 : index
    %get3A_0 = arith.constant 0 : index
    %get3A_1 = vector.load %arg1[%get3A, %get3A_0] : memref<1000x128xf32, #tpu.memory_space<vmem>>, vector<1000x128xf32>
    %get3A_2 = arith.constant 0 : index
    %get3A_3 = arith.constant 0 : index
    %get3A_4 = vector.load %arg2[%get3A_2, %get3A_3] : memref<128x256xf32, #tpu.memory_space<vmem>>, vector<128x256xf32>
    %dot_general3A = arith.constant dense<0.000000e+00> : vector<1000x256xf32>
    %dot_general3A_5 = tpu.matmul %get3A_1, %get3A_4, %dot_general3A {dimension_numbers = #tpu.dot_dimension_numbers<[1], [0], [0], [1], [0, 0, 1, 1], [], []>, transpose_lhs_hint = false} : vector<1000x128xf32>, vector<128x256xf32>, vector<1000x256xf32> -> vector<1000x256xf32>
    %slice3A = vector.extract_strided_slice %dot_general3A_5 {offsets = [0, 0], sizes = [1000, 128], strides = [1, 1]} : vector<1000x256xf32> to vector<1000x128xf32>
    %logistic3A = arith.negf %slice3A : vector<1000x128xf32>
    %logistic3A_6 = math.exp %logistic3A : vector<1000x128xf32>
    %logistic3A_7 = arith.constant 1.000000e+00 : f32
    %logistic3A_8 = vector.broadcast %logistic3A_7 : f32 to vector<1000x128xf32>
    %logistic3A_9 = arith.addf %logistic3A_8, %logistic3A_6 : vector<1000x128xf32>
    %logistic3A_10 = arith.divf %logistic3A_8, %logistic3A_9 : vector<1000x128xf32>
    %slice3A_11 = vector.extract_strided_slice %dot_general3A_5 {offsets = [0, 128], sizes = [1000, 128], strides = [1, 1]} : vector<1000x256xf32> to vector<1000x128xf32>
    %mul3A = arith.mulf %logistic3A_10, %slice3A_11 : vector<1000x128xf32>
    %swap3A = arith.constant 0 : index
    %swap3A_12 = arith.constant 0 : index
    %swap3A_13 = vector.load %arg3[%swap3A, %swap3A_12] : memref<1000x128xf32, #tpu.memory_space<vmem>>, vector<1000x128xf32>
    tpu.vector_store %arg3[%swap3A, %swap3A_12], %mul3A {strides = array<i32>} : memref<1000x128xf32, #tpu.memory_space<vmem>>, vector<1000x128xf32>,
    return
  }
  func.func @transform_0(%arg0: i32) -> (i32, i32) {
    %c0_i32 = arith.constant 0 : i32
    %c0_i32_0 = arith.constant 0 : i32
    return %arg0, %c0_i32 : i32, i32
  }
  func.func @transform_1(%arg0: i32) -> (i32, i32) {
    %c0_i32 = arith.constant 0 : i32
    %c0_i32_0 = arith.constant 0 : i32
    %c0_i32_1 = arith.constant 0 : i32
    return %c0_i32, %c0_i32_0 : i32, i32
  }
  func.func @transform_2(%arg0: i32) -> (i32, i32) {
    %c0_i32 = arith.constant 0 : i32
    %c0_i32_0 = arith.constant 0 : i32
    return %arg0, %c0_i32 : i32, i32
  }
}

</mosaic_0001>

<sc_bundles>
// kernel: kernel.5.cloned.1.call-start
scs
__scs_entry_jumppad:
0x0: {  	(pc) =	sbr.rel $0x88, $3  }
0x1: {  	(tag) =	ssettag $0x0;
	lr =	simm.s32 $0x1  }
0x2: {  	[smem:$0x3F9D] =	sst lr;
	_ =	strace $0xD0000000  }
0x3: {  	_ = 	snop  }
0x4: {  	_ = 	snop  }
0x5: {  	_ = 	snop  }
0x6: {  	_ = 	snop  }
0x7: {  	_ = 	snop  }
__scs_overlays_trampoline_lowered:
0x8: {  	[smem:$0x3FAC] =	sst s0  }
0x9: {  	[smem:$0x3FAD] =	sst s1  }
0xa: {  	[smem:$0x3FAE] =	sst s2  }
0xb: {  	[smem:$0x3FAF] =	sst s3  }
0xc: {  	[smem:$0x3FB0] =	sst s4  }
0xd: {  	[smem:$0x3FB1] =	sst s5  }
0xe: {  	[smem:$0x3FB2] =	sst s6  }
0xf: {  	[smem:$0x3FB3] =	sst s7  }
0x10: {  	[smem:$0x3FB4] =	sst s8  }
0x11: {  	[smem:$0x3FB5] =	sst s9;
	s0 =	simm.s32 @!p0 $0x0  }
0x12: {  	s1 =	sld [smem:$0x3F9B];
	s0 =	simm.s32 @p0 $0x1  }
0x13: {  	[smem:$0x3FB6] =	sst s0;
	s0 =	simm.s32 @!p1 $0x0  }
0x14: {  	s2 =	sld [smem:$0x3F9A];
	s0 =	simm.s32 @p1 $0x1  }
0x15: {  	[smem:$0x3FB7] =	sst s0;
	s0 =	simm.s32 @!p2 $0x0  }
0x16: {  	s3 =	sld [smem:$0x3FDB];
	s0 =	simm.s32 @p2 $0x1  }
0x17: {  	s4 =	simm.s32 $0x1BF5;
	[smem:$0x3FB9] =	sst s0  }
0x18: {  	s0 =	sld [smem:$0x3F9C];
	_ =	swait.ge [sflag:s4], $0x0  }
0x19: {  	s7 =	sld [smem:$0x3F9D]  }
0x1a: {  	s8 =	sadd.s32 $0xFFFFE003, lr  }
0x1b: {  	s9 =	sadd.s32 $0xFFFFFEF7, lr;
	s5 =	simm.s32 $0xFFFFFFFF;
	p2 =	slt.u32 s8, $0xFFFFF086  }
0x1c: {  	p1 =	slt.u32 s9, $0xF7A;
	s5 =	simm.s32 @!p2 $0x0  }
0x1d: {  	s5 =	simm.s32 @p1 $0x1;
	p0 =	seq.s32 s7, s2  }
0x1e: {  	s7 =	smul.u32 @!p0 $0xF7A, s2;
	p2 =	seq.s32 @!p0 s5, $0x0  }
0x1f: {  	s9 =	smul.u32 $0xF7A, s1;
	s8 =	simm.s32 @!p0 $0x1BF5;
	p2 =	por !p2, p0  }
0x20: {  	[sflag:s8] =	ssyncset.s32 @!p0 $0xFFFFF086;
	s6 =	sadd.s32 @!p0 s3, s7;
	s7 =	simm.s32 @!p0 $0x108  }
0x21: {  	s3 =	sadd.s32 s3, s9;
	s6 =	sadd.s32 @!p0 $0x88, s6;
	s7 =	simm.s32 @p2 $0x1082  }
0x22: {  	[simem:s7], [sflag:s8] =	dma.local @!p0 [hbm:s6], $0xF7A  }
0x23: {  	s9 =	sor.u32 $0xD0000000, s2;
	s6 =	simm.s32 $0x108;
	_ =	swait.ge @!p0 [sflag:s8], $0x0  }
0x24: {  	s3 =	sadd.s32 $0x88, s3;
	s6 =	simm.s32 @!p1 $0x1082;
	[sflag:s4] =	ssyncset.s32 $0xFFFFF086  }
0x25: {  	[simem:s6], [sflag:s4] =	dma.local [hbm:s3], $0xF7A  }
0x26: {  	[smem:$0x3F9D] =	sst s1;
	(tag) =	ssettag s2;
	_ =	strace s9  }
0x27: {  	s1 =	sld [smem:$0x3FAD]  }
0x28: {  	s2 =	sld [smem:$0x3FAE]  }
0x29: {  	s4 =	sld [smem:$0x3FB0]  }
0x2a: {  	p0 =	seq.s32 s5, $0x0;
	s5 =	sld [smem:$0x3FB1]  }
0x2b: {  	s6 =	sld [smem:$0x3FB2]  }
0x2c: {  	s7 =	sld [smem:$0x3FB3]  }
0x2d: {  	s3 =	simm.s32 $0x108;
	s8 =	sld [smem:$0x3FB4]  }
0x2e: {  	s3 =	simm.s32 @!p0 $0x1082;
	s9 =	sld [smem:$0x3FB5]  }
0x2f: {  	lr =	sadd.s32 s0, s3;
	s0 =	sld [smem:$0x3FAC]  }
0x30: {  	s3 =	sld [smem:$0x3FAF]  }
0x31: {  	[smem:$0x3FB8] =	sst s10  }
0x32: {  	s10 =	sld [smem:$0x3FB6];
	_ =	sdelay $0x3  }
0x33: {  	p0 =	seq.s32 s10, $0x1;
	s10 =	sld [smem:$0x3FB8];
	_ =	sdelay $0x3  }
0x34: {  	[smem:$0x3FB8] =	sst s10  }
0x35: {  	s10 =	sld [smem:$0x3FB7];
	_ =	sdelay $0x3  }
0x36: {  	p1 =	seq.s32 s10, $0x1;
	s10 =	sld [smem:$0x3FB8];
	_ =	sdelay $0x3  }
0x37: {  	[smem:$0x3FB8] =	sst s10  }
0x38: {  	s10 =	sld [smem:$0x3FB9]  }
0x39: {  	_ = 	snop;
	(pc) =	sbr.ind lr, $3  }
0x3a: {  	_ = 	snop  }
0x3b: {  	_ = 	snop  }
0x3c: {  	p2 =	seq.s32 s10, $0x1;
	s10 =	sld [smem:$0x3FB8]  }
0x3d: {  	_ =	shalt  }
0x3e: {  	_ =	shalt  }
0x3f: {  	_ =	shalt  }
0x40: {  	_ =	shalt  }
0x41: {  	_ =	shalt  }
0x42: {  	_ =	shalt  }
0x43: {  	_ =	shalt  }
0x44: {  	_ =	shalt  }
0x45: {  	_ =	shalt  }
0x46: {  	_ =	shalt  }
0x47: {  	_ =	shalt  }
0x48: {  	_ =	shalt  }
0x49: {  	_ =	shalt  }
0x4a: {  	_ =	shalt  }
0x4b: {  	_ =	shalt  }
0x4c: {  	_ =	shalt  }
0x4d: {  	_ =	shalt  }
0x4e: {  	_ =	shalt  }
0x4f: {  	_ =	shalt  }
0x50: {  	_ =	shalt  }
0x51: {  	_ =	shalt  }
0x52: {  	_ =	shalt  }
0x53: {  	_ =	shalt  }
0x54: {  	_ =	shalt  }
0x55: {  	_ =	shalt  }
0x56: {  	_ =	shalt  }
0x57: {  	_ =	shalt  }
0x58: {  	_ =	shalt  }
0x59: {  	_ =	shalt  }
0x5a: {  	_ =	shalt  }
0x5b: {  	_ =	shalt  }
0x5c: {  	_ =	shalt  }
0x5d: {  	_ =	shalt  }
0x5e: {  	_ =	shalt  }
0x5f: {  	_ =	shalt  }
0x60: {  	_ =	shalt  }
0x61: {  	_ =	shalt  }
0x62: {  	_ =	shalt  }
0x63: {  	_ =	shalt  }
0x64: {  	_ =	shalt  }
0x65: {  	_ =	shalt  }
0x66: {  	_ =	shalt  }
0x67: {  	_ =	shalt  }
0x68: {  	_ =	shalt  }
0x69: {  	_ =	shalt  }
0x6a: {  	_ =	shalt  }
0x6b: {  	_ =	shalt  }
0x6c: {  	_ =	shalt  }
0x6d: {  	_ =	shalt  }
0x6e: {  	_ =	shalt  }
0x6f: {  	_ =	shalt  }
0x70: {  	_ =	shalt  }
0x71: {  	_ =	shalt  }
0x72: {  	_ =	shalt  }
0x73: {  	_ =	shalt  }
0x74: {  	_ =	shalt  }
0x75: {  	_ =	shalt  }
0x76: {  	_ =	shalt  }
0x77: {  	_ =	shalt  }
0x78: {  	_ =	shalt  }
0x79: {  	_ =	shalt  }
0x7a: {  	_ =	shalt  }
0x7b: {  	_ =	shalt  }
0x7c: {  	_ =	shalt  }
0x7d: {  	_ =	shalt  }
0x7e: {  	_ =	shalt  }
0x7f: {  	_ =	shalt  }
0x80: {  	_ =	shalt  }
0x81: {  	_ =	shalt  }
0x82: {  	_ =	shalt  }
0x83: {  	_ =	shalt  }
0x84: {  	_ =	shalt  }
0x85: {  	_ =	shalt  }
0x86: {  	_ =	shalt  }
0x87: {  	_ =	shalt  }
.Lfunc_end0:
.L_simem_size_0:
called_computation_lowered:
.L_overlay_start_0:
0x88: {  	s2 =	sld [smem:$0x3FD9]  }
0x89: {  	s3 =	sld [smem:$0x3FFE];
	_ =	sdelay $0x1  }
0x8a: {  	s1 =	srdreg.scid  }
0x8b: {  	s0 =	sand.u32 $0x1, s1  }
0x8c: {  	s17 =	sshll.u32 s0, $0xA;
	s2 =	sadd.s32 s3, s2  }
0x8d: {  	s2 =	sadd.s32 s2, s17  }
0x8e: {  	[smem:$0x3FC4] =	sst s2  }
0x8f: {  	_ = 	snop  }
0x90: {  	s2 =	sld [smem:$0x3FD0];
	(tm) =	ssettm $0x1  }
0x91: {  	s18 =	sld [smem:$0x3FFB];
	_ =	sdelay $0x3  }
0x92: {  	_ =	strace s18  }
0x93: {  	s3 =	sld [smem:$0x3FFC];
	_ =	sdelay $0x3  }
0x94: {  	_ =	strace s3  }
0x95: {  	s3 =	sld [smem:$0x3FFD];
	_ =	sdelay $0x3  }
0x96: {  	_ =	strace s3  }
0x97: {  	_ =	strace $0x8FFFFFFF  }
0x98: {  	s19 =	sld [smem:$0x3FDB];
	_ =	sdelay $0x1  }
0x99: {  	s4 =	simm.s32 $_scs_section_size  }
0x9a: {  	s5 =	simm.s32 $_size__tile_overlayer_lowered;
	s6 =	simm.s32 $_tile_overlayer_lowered  }
0x9b: {  	s22 =	simm.s32 $0x1BFF;
	s21 =	sshll.u32 s6, $0x1;
	s3 =	sadd.s32 s4, s19  }
0x9c: {  	s7 =	simm.s32 $0x0;
	s20 =	sshll.u32 s5, $0x1;
	s5 =	sadd.s32 s21, s3  }
0x9d: {  	[timem:s7], [sflag:s22] =	dma.local [hbm:s5], s20  }
0x9e: {  	_ =	swait.ge [sflag:s22], s20  }
0x9f: {  	s4 =	ssub.s32 $0x0, s20;
	[sflag:s22] =	ssyncset.done $0x0  }
0xa0: {  	[sflag:s22] =	ssyncadd.s32 s4;
	_ =	sdelay $0x1  }
0xa1: {  	s23 =	simm.s32 $0x1B8B  }
0xa2: {  	_ =	swait.ge [sflag:s23], $0x1  }
0xa3: {  	[sflag:s23] =	ssyncset.done $0x0  }
0xa4: {  	s25 =	simm.s32 $0x1B8E;
	s24 =	sld [smem:$0x3FFE];
	[sflag:s23] =	ssyncadd.s32 $0xFFFFFFFF  }
0xa5: {  	s26 =	simm.s32 $execute0_lowered;
	[smem:$0x3FD2] =	sst s25  }
0xa6: {  	s5 =	sshll.u32 s26, $0x1;
	_ =	strace $0x80000046;
	[dreg:$0x1] =	wrdreg $0xFFFFFFFF  }
0xa7: {  	s28 =	simm.s32 $_size_execute0_lowered;
	s3 =	sadd.s32 s3, s5;
	[dreg:$0x0] =	wrdreg $0x0  }
0xa8: {  	s5 =	sshll.u32 s28, $0x1;
	[dreg:$0x2] =	wrdreg s3  }
0xa9: {  	[dreg:$0x3] =	wrdreg s5  }
0xaa: {  	[dreg:$0x4] =	wrdreg $0xC0  }
0xab: {  	_ =	task [dreg:s7], $0x5FFFF  }
0xac: {  	[dreg:$0x1] =	wrdreg $0xFFFFFFFF  }
0xad: {  	[dreg:$0x0] =	wrdreg $0x60  }
0xae: {  	[dreg:$0x2] =	wrdreg s2  }
0xaf: {  	[dreg:$0x3] =	wrdreg s24  }
0xb0: {  	[dreg:$0x4] =	wrdreg $0xB3000  }
0xb1: {  	[dreg:$0x5] =	wrdreg $0x9  }
0xb2: {  	_ =	task.clear_ibuf [dreg:s7], $0x6FFFF;
	_ =	strace $0x90000046  }
0xb3: {  	s29 =	simm.s32 $0x9;
	_ =	strace $0x80000048  }
0xb4: {  	_ =	swait.ge [sflag:s29], $0x1  }
0xb5: {  	[sflag:s29] =	ssyncadd.s32 $0xFFFFFFFF  }
0xb6: {  	_ =	strace $0x90000048  }
0xb7: {  	_ =	sfence  }
0xb8: {  	s30 =	sld [smem:$0x0];
	_ =	sdelay $0x2  }
0xb9: {  	s31 =	sshll.u32 s1, $0xD;
	s1 =	sshrl.u32 s1, $0x2  }
0xba: {  	s3 =	sand.u32 $0x4000, s31;
	s1 =	sadd.s32 s1, s30  }
0xbb: {  	s0 =	sor.u32 s3, s0;
	s1 =	sshll.u32 s1, $0x11  }
0xbc: {  	s0 =	sor.u32 s1, s0  }
0xbd: {  	s0 =	sadd.s32 $0x8F2B, s0  }
0xbe: {  	[sflag:s0] =	ssyncadd.remote.s32 $0x1  }
0xbf: {  	_ =	sfence.sel $0xFFFF  }
0xc0: {  	[dreg:$0x0] =	wrdreg $0xFFFFFFFF;
	(pc) =	sbr.abs _section_cstart, $3  }
0xc1: {  	[dreg:$0x1] =	wrdreg $0xFFFFFFFF  }
0xc2: {  	_ =	task.clear_ibuf [dreg:s7], $0x2FFFF;
	_ =	strace $0x9FFFFFFF  }
0xc3: {  	(tm) =	ssettm $0x7FFFFFFF  }
tec
execute0_lowered:
.L_overlay_start_1:
0x0: {  	(tag) =	ssettag $0x1  }
0x1: {  	s1 =	rddreg [dreg:$0x0]  }
0x2: {  	s0 =	rddreg [dreg:$0x1]  }
0x3: {  	s2 =	rddreg [dreg:$0x2]  }
0x4: {  	s3 =	srdreg.scid;
	s10 =	stileid.u32;
	s11 =	simm.s32 $0x80  }
0x5: {  	s12 =	simm.s32 $0x400;
	s15 =	simm.s32 $0x6;
	s16 =	simm.s32 $0x1  }
0x6: {  	s17 =	simm.s32 $0x2;
	s18 =	simm.s32 $0x28;
	s19 =	simm.s32 $0x4F00  }
0x7: {  	s20 =	simm.s32 $0x6300;
	s28 =	simm.s32 $0x3;
	s29 =	simm.s32 $0x4  }
0x8: {  	s30 =	simm.s32 $0x5;
	s3 =	sand.u32 $0x1, s3;
	s22 =	smul.u32 $0x14000, s10  }
0x9: {  	s4 =	sshrl.u32 s10, $0x2;
	s5 =	sshll.u32 s10, $0x8;
	s26 =	smul.u32 $0x50000, s10  }
0xa: {  	s31 =	sshll.u32 s10, $0x6;
	s6 =	smul.u32 $0x13C00, s4;
	s21 =	sshll.u32 s3, $0x7  }
0xb: {  	s5 =	sand.u32 $0x300, s5;
	s4 =	simm.s32 $0x0;
	s7 =	smul.u32 $0x140000, s3  }
0xc: {  	s3 =	ssub.s32 $0x2, s3;
	s5 =	sor.u32 s21, s5;
	[smem:$0x7FF] =	sst s4  }
0xd: {  	s23 =	sshrl.u32 s22, $0x3;
	s25 =	sshrl.u32 s3, $0x1;
	s21 =	simm.s32 $0x4E68  }
0xe: {  	s5 =	sor.u32 s6, s5;
	_ =	strace $0x80000047;
	s9 =	sadd.s32 s23, s0  }
0xf: {  	s24 =	sadd.s32 s22, s7;
	s3 =	ssub.s32 s3, s25;
	s7 =	sshrl.u32 s26, $0x2  }
0x10: {  	s22 =	simm.s32 $0x7700;
	s26 =	simm.s32 $0x9F00;
	s23 =	simm.s32 $0x0  }
0x11: {  	s5 =	sshrl.u32 s5, $0x3;
	s13 =	sadd.s32 s7, s2;
	s7 =	sadd.s32 $0x14600, s9  }
0x12: {  	s10 =	smax.u32 s3, $0x1;
	s8 =	sadd.s32 s5, s0;
	s5 =	sshrl.u32 s24, $0x3  }
0x13: {  	s14 =	sshrl.u32 s13, $0x3;
	s24 =	simm.s32 $0x8B00;
	s13 =	simm.s32 $0x4E40  }
0x14: {  	s0 =	sadd.s32 s5, s0;
	s5 =	sadd.s32 $0xA800, s8;
	s6 =	sadd.s32 $0xA00, s8  }
0x15: {  	s8 =	sor.u32 $0x1C06, s31;
	s9 =	sadd.s32 $0x3C600, s0;
	s0 =	simm.s32 $0x4E18  }
.LBB2_1:
0x16: {  	[tilespmem:s4], [sflag:$0x1] =	stream.strided.gather [hbm4b:s5+s11], $0x2780, s12, s11, $0x38;
	[tilespmem:$0x1F300] =	vst v63  }
0x17: {  	s3 =	simm.s32 $0x2780  }
0x18: {  	[tilespmem:s3], [sflag:$0x2] =	stream.strided.gather [hbm4b:s6+s11], $0x2780, s12, s11, $0x38;
	[tilespmem:$0x1F300] =	vst v63  }
0x19: {  	[spmem:s14], [sflag:s8] =	dma.local [hbm:s7], $0x2800  }
0x1a: {  	_ =	swait.ge [sflag:s15], $0x2800  }
0x1b: {  	[sflag:s15] =	ssyncset.done $0x0  }
0x1c: {  	[sflag:s15] =	ssyncadd.s32 $0xFFFFD800  }
0x1d: {  	_ =	swait.ge [sflag:s16], $0x2780  }
0x1e: {  	[sflag:s16] =	ssyncset.done $0x0  }
0x1f: {  	[sflag:s16] =	ssyncadd.s32 $0xFFFFD880  }
0x20: {  	_ =	swait.ge [sflag:s17], $0x2780  }
0x21: {  	[sflag:s17] =	ssyncset.done $0x0  }
0x22: {  	[sflag:s17] =	ssyncadd.s32 $0xFFFFD880  }
0x23: {  	[bflag:$0x0] =	sbarrier.arrive $0xFFFF  }
0x24: {  	[tilespmem:s19], [sflag:$0x1] =	stream.indirect.gather [hbm4b:s1+s18], $0x80, s4, s18, $0xb8;
	[tilespmem:$0x1F300] =	vst v63  }
0x25: {  	_ = 	snop  }
0x26: {  	[tilespmem:s20], [sflag:$0x2] =	stream.indirect.gather [hbm4b:s1+s18], $0x80, s18, s18, $0xb8;
	[tilespmem:$0x1F300] =	vst v63  }
0x27: {  	s25 =	simm.s32 $0x50  }
0x28: {  	[tilespmem:s22], [sflag:$0x3] =	stream.indirect.gather [hbm4b:s1+s18], $0x80, s25, s18, $0xb8;
	[tilespmem:$0x1F300] =	vst v63  }
0x29: {  	s25 =	simm.s32 $0x78  }
0x2a: {  	[tilespmem:s24], [sflag:$0x4] =	stream.indirect.gather [hbm4b:s1+s18], $0x80, s25, s18, $0xb8;
	[tilespmem:$0x1F300] =	vst v63  }
0x2b: {  	s25 =	simm.s32 $0xA0  }
0x2c: {  	[tilespmem:s26], [sflag:$0x5] =	stream.indirect.gather [hbm4b:s1+s18], $0x80, s25, s18, $0xb8;
	[tilespmem:$0x1F300] =	vst v63  }
0x2d: {  	_ =	swait.ge [sflag:s16], $0x1400  }
0x2e: {  	[sflag:s16] =	ssyncset.done $0x0  }
0x2f: {  	s25 =	simm.s32 $0x2780;
	[sflag:s16] =	ssyncadd.s32 $0xFFFFEC00  }
0x30: {  	[spmem:s2] =	stream.indirect.scatter.add.f32 [tilespmem:s19], [sflag:$0x6], $0x80, s25, s18, $0xb8;
	[tilespmem:$0x1F300] =	vst v63  }
0x31: {  	_ =	swait.ge [sflag:s15], $0x1400  }
0x32: {  	[sflag:s15] =	ssyncset.done $0x0  }
0x33: {  	s3 =	simm.s32 $0xC8;
	[sflag:s15] =	ssyncadd.s32 $0xFFFFEC00  }
0x34: {  	[tilespmem:s19], [sflag:$0x1] =	stream.indirect.gather [hbm4b:s1+s18], $0x80, s3, s18, $0xb8;
	[tilespmem:$0x1F300] =	vst v63  }
0x35: {  	_ =	swait.ge [sflag:s17], $0x1400  }
0x36: {  	[sflag:s17] =	ssyncset.done $0x0  }
0x37: {  	s3 =	simm.s32 $0x27A8;
	[sflag:s17] =	ssyncadd.s32 $0xFFFFEC00  }
0x38: {  	[spmem:s2] =	stream.indirect.scatter.add.f32 [tilespmem:s20], [sflag:$0x6], $0x80, s3, s18, $0xb8;
	[tilespmem:$0x1F300] =	vst v63  }
0x39: {  	_ =	swait.ge [sflag:s15], $0x1400  }
0x3a: {  	[sflag:s15] =	ssyncset.done $0x0  }
0x3b: {  	s3 =	simm.s32 $0xF0;
	[sflag:s15] =	ssyncadd.s32 $0xFFFFEC00  }
0x3c: {  	[tilespmem:s20], [sflag:$0x2] =	stream.indirect.gather [hbm4b:s1+s18], $0x80, s3, s18, $0xb8;
	[tilespmem:$0x1F300] =	vst v63  }
0x3d: {  	_ =	swait.ge [sflag:s28], $0x1400  }
0x3e: {  	[sflag:s28] =	ssyncset.done $0x0  }
0x3f: {  	s3 =	simm.s32 $0x27D0;
	[sflag:s28] =	ssyncadd.s32 $0xFFFFEC00  }
0x40: {  	[spmem:s2] =	stream.indirect.scatter.add.f32 [tilespmem:s22], [sflag:$0x6], $0x80, s3, s18, $0xb8;
	[tilespmem:$0x1F300] =	vst v63  }
0x41: {  	_ =	swait.ge [sflag:s15], $0x1400  }
0x42: {  	[sflag:s15] =	ssyncset.done $0x0  }
0x43: {  	s3 =	simm.s32 $0x118;
	[sflag:s15] =	ssyncadd.s32 $0xFFFFEC00  }
0x44: {  	[tilespmem:s22], [sflag:$0x3] =	stream.indirect.gather [hbm4b:s1+s18], $0x80, s3, s18, $0xb8;
	[tilespmem:$0x1F300] =	vst v63  }
0x45: {  	_ =	swait.ge [sflag:s29], $0x1400  }
0x46: {  	[sflag:s29] =	ssyncset.done $0x0  }
0x47: {  	s3 =	simm.s32 $0x27F8;
	[sflag:s29] =	ssyncadd.s32 $0xFFFFEC00  }
0x48: {  	[spmem:s2] =	stream.indirect.scatter.add.f32 [tilespmem:s24], [sflag:$0x6], $0x80, s3, s18, $0xb8;
	[tilespmem:$0x1F300] =	vst v63  }
0x49: {  	_ =	swait.ge [sflag:s15], $0x1400  }
0x4a: {  	[sflag:s15] =	ssyncset.done $0x0  }
0x4b: {  	s3 =	simm.s32 $0x140;
	[sflag:s15] =	ssyncadd.s32 $0xFFFFEC00  }
0x4c: {  	[tilespmem:s24], [sflag:$0x4] =	stream.indirect.gather [hbm4b:s1+s18], $0x80, s3, s18, $0xb8;
	[tilespmem:$0x1F300] =	vst v63  }
0x4d: {  	_ =	swait.ge [sflag:s30], $0x1400  }
0x4e: {  	[sflag:s30] =	ssyncset.done $0x0  }
0x4f: {  	s3 =	simm.s32 $0x2820;
	[sflag:s30] =	ssyncadd.s32 $0xFFFFEC00  }
0x50: {  	[spmem:s2] =	stream.indirect.scatter.add.f32 [tilespmem:s26], [sflag:$0x6], $0x80, s3, s18, $0xb8;
	[tilespmem:$0x1F300] =	vst v63  }
0x51: {  	_ =	swait.ge [sflag:s15], $0x1400  }
0x52: {  	[sflag:s15] =	ssyncset.done $0x0  }
0x53: {  	s31 =	simm.s32 $0x168;
	s25 =	simm.s32 $0x320;
	[sflag:s15] =	ssyncadd.s32 $0xFFFFEC00  }
.LBB2_2:
0x54: {  	[tilespmem:s26], [sflag:$0x5] =	stream.indirect.gather [hbm4b:s1+s18], $0x80, s31, s18, $0xb8;
	[tilespmem:$0x1F300] =	vst v63  }
0x55: {  	s31 =	smov.u32 s25  }
0x56: {  	p0 =	sne.s32 s25, $0x9600;
	s25 =	sadd.s32 $0x320, s25;
	_ =	swait.ge [sflag:s16], $0x1400  }
0x57: {  	s31 =	sshra.s32 s31, $0x2;
	[sflag:s16] =	ssyncset.done $0x0  }
0x58: {  	s3 =	sadd.s32 $0x2780, s31;
	[sflag:s16] =	ssyncadd.s32 $0xFFFFEC00  }
0x59: {  	[spmem:s2] =	stream.indirect.scatter.add.f32 [tilespmem:s19], [sflag:$0x6], $0x80, s3, s18, $0xb8;
	[tilespmem:$0x1F300] =	vst v63  }
0x5a: {  	_ =	swait.ge [sflag:s15], $0x1400  }
0x5b: {  	[sflag:s15] =	ssyncset.done $0x0  }
0x5c: {  	s3 =	sadd.s32 $0xC8, s31;
	[sflag:s15] =	ssyncadd.s32 $0xFFFFEC00  }
0x5d: {  	[tilespmem:s19], [sflag:$0x1] =	stream.indirect.gather [hbm4b:s1+s18], $0x80, s3, s18, $0xb8;
	[tilespmem:$0x1F300] =	vst v63  }
0x5e: {  	_ =	swait.ge [sflag:s17], $0x1400  }
0x5f: {  	[sflag:s17] =	ssyncset.done $0x0  }
0x60: {  	s3 =	sadd.s32 $0x27A8, s31;
	[sflag:s17] =	ssyncadd.s32 $0xFFFFEC00  }
0x61: {  	[spmem:s2] =	stream.indirect.scatter.add.f32 [tilespmem:s20], [sflag:$0x6], $0x80, s3, s18, $0xb8;
	[tilespmem:$0x1F300] =	vst v63  }
0x62: {  	_ =	swait.ge [sflag:s15], $0x1400  }
0x63: {  	[sflag:s15] =	ssyncset.done $0x0  }
0x64: {  	s3 =	sadd.s32 $0xF0, s31;
	[sflag:s15] =	ssyncadd.s32 $0xFFFFEC00  }
0x65: {  	[tilespmem:s20], [sflag:$0x2] =	stream.indirect.gather [hbm4b:s1+s18], $0x80, s3, s18, $0xb8;
	[tilespmem:$0x1F300] =	vst v63  }
0x66: {  	_ =	swait.ge [sflag:s28], $0x1400  }
0x67: {  	[sflag:s28] =	ssyncset.done $0x0  }
0x68: {  	s3 =	sadd.s32 $0x27D0, s31;
	[sflag:s28] =	ssyncadd.s32 $0xFFFFEC00  }
0x69: {  	[spmem:s2] =	stream.indirect.scatter.add.f32 [tilespmem:s22], [sflag:$0x6], $0x80, s3, s18, $0xb8;
	[tilespmem:$0x1F300] =	vst v63  }
0x6a: {  	_ =	swait.ge [sflag:s15], $0x1400  }
0x6b: {  	[sflag:s15] =	ssyncset.done $0x0  }
0x6c: {  	s3 =	sadd.s32 $0x118, s31;
	[sflag:s15] =	ssyncadd.s32 $0xFFFFEC00  }
0x6d: {  	[tilespmem:s22], [sflag:$0x3] =	stream.indirect.gather [hbm4b:s1+s18], $0x80, s3, s18, $0xb8;
	[tilespmem:$0x1F300] =	vst v63  }
0x6e: {  	_ =	swait.ge [sflag:s29], $0x1400  }
0x6f: {  	[sflag:s29] =	ssyncset.done $0x0  }
0x70: {  	s3 =	sadd.s32 $0x27F8, s31;
	[sflag:s29] =	ssyncadd.s32 $0xFFFFEC00  }
0x71: {  	[spmem:s2] =	stream.indirect.scatter.add.f32 [tilespmem:s24], [sflag:$0x6], $0x80, s3, s18, $0xb8;
	[tilespmem:$0x1F300] =	vst v63  }
0x72: {  	_ =	swait.ge [sflag:s15], $0x1400  }
0x73: {  	[sflag:s15] =	ssyncset.done $0x0  }
0x74: {  	s3 =	sadd.s32 $0x140, s31;
	[sflag:s15] =	ssyncadd.s32 $0xFFFFEC00  }
0x75: {  	[tilespmem:s24], [sflag:$0x4] =	stream.indirect.gather [hbm4b:s1+s18], $0x80, s3, s18, $0xb8;
	[tilespmem:$0x1F300] =	vst v63  }
0x76: {  	_ =	swait.ge [sflag:s30], $0x1400  }
0x77: {  	[sflag:s30] =	ssyncset.done $0x0  }
.Ltmp0:
0x78: {  	s3 =	sadd.s32 $0x2820, s31;
	[sflag:s30] =	ssyncadd.s32 $0xFFFFEC00;
	(pc) =	sbr.rel @p0 .LBB2_2-.Ltmp0, $4  }
0x79: {  	[spmem:s2] =	stream.indirect.scatter.add.f32 [tilespmem:s26], [sflag:$0x6], $0x80, s3, s18, $0xb8;
	[tilespmem:$0x1F300] =	vst v63  }
0x7a: {  	_ =	swait.ge [sflag:s15], $0x1400  }
0x7b: {  	[sflag:s15] =	ssyncset.done $0x0  }
0x7c: {  	s31 =	sadd.s32 $0x168, s31;
	[sflag:s15] =	ssyncadd.s32 $0xFFFFEC00  }
0x7d: {  	[tilespmem:s26], [sflag:$0x5] =	stream.indirect.gather [hbm4b:s1+s18], $0x80, s31, s18, $0xb8;
	[tilespmem:$0x1F300] =	vst v63  }
0x7e: {  	_ =	swait.ge [sflag:s16], $0x1400  }
0x7f: {  	[sflag:s16] =	ssyncset.done $0x0  }
0x80: {  	s3 =	simm.s32 $0x4DC8;
	[sflag:s16] =	ssyncadd.s32 $0xFFFFEC00  }
0x81: {  	[spmem:s2] =	stream.indirect.scatter.add.f32 [tilespmem:s19], [sflag:$0x6], $0x80, s3, s18, $0xb8;
	[tilespmem:$0x1F300] =	vst v63  }
0x82: {  	_ =	swait.ge [sflag:s15], $0x1400  }
0x83: {  	[sflag:s15] =	ssyncset.done $0x0  }
0x84: {  	[sflag:s15] =	ssyncadd.s32 $0xFFFFEC00  }
0x85: {  	_ =	swait.ge [sflag:s17], $0x1400  }
0x86: {  	[sflag:s17] =	ssyncset.done $0x0  }
0x87: {  	s31 =	simm.s32 $0x4DF0;
	[sflag:s17] =	ssyncadd.s32 $0xFFFFEC00  }
0x88: {  	[spmem:s2] =	stream.indirect.scatter.add.f32 [tilespmem:s20], [sflag:$0x6], $0x80, s31, s18, $0xb8;
	[tilespmem:$0x1F300] =	vst v63  }
0x89: {  	_ =	swait.ge [sflag:s15], $0x1400  }
0x8a: {  	[sflag:s15] =	ssyncset.done $0x0  }
0x8b: {  	[sflag:s15] =	ssyncadd.s32 $0xFFFFEC00  }
0x8c: {  	_ =	swait.ge [sflag:s28], $0x1400  }
0x8d: {  	[sflag:s28] =	ssyncset.done $0x0  }
0x8e: {  	[sflag:s28] =	ssyncadd.s32 $0xFFFFEC00  }
0x8f: {  	[spmem:s2] =	stream.indirect.scatter.add.f32 [tilespmem:s22], [sflag:$0x6], $0x80, s0, s18, $0xb8;
	[tilespmem:$0x1F300] =	vst v63  }
0x90: {  	_ =	swait.ge [sflag:s15], $0x1400  }
0x91: {  	[sflag:s15] =	ssyncset.done $0x0  }
0x92: {  	[sflag:s15] =	ssyncadd.s32 $0xFFFFEC00  }
0x93: {  	_ =	swait.ge [sflag:s29], $0x1400  }
0x94: {  	[sflag:s29] =	ssyncset.done $0x0  }
0x95: {  	[sflag:s29] =	ssyncadd.s32 $0xFFFFEC00  }
0x96: {  	[spmem:s2] =	stream.indirect.scatter.add.f32 [tilespmem:s24], [sflag:$0x6], $0x80, s13, s18, $0xb8;
	[tilespmem:$0x1F300] =	vst v63  }
0x97: {  	_ =	swait.ge [sflag:s15], $0x1400  }
0x98: {  	[sflag:s15] =	ssyncset.done $0x0  }
0x99: {  	[sflag:s15] =	ssyncadd.s32 $0xFFFFEC00  }
0x9a: {  	_ =	swait.ge [sflag:s30], $0x1400  }
0x9b: {  	[sflag:s30] =	ssyncset.done $0x0  }
0x9c: {  	[sflag:s30] =	ssyncadd.s32 $0xFFFFEC00  }
0x9d: {  	[spmem:s2] =	stream.indirect.scatter.add.f32 [tilespmem:s26], [sflag:$0x6], $0x80, s21, s18, $0xb8;
	[tilespmem:$0x1F300] =	vst v63  }
0x9e: {  	_ =	swait.ge [sflag:s15], $0x1400  }
0x9f: {  	s23 =	sadd.s32 $0x1, s23;
	[sflag:s15] =	ssyncset.done $0x0  }
0xa0: {  	p0 =	sne.s32 s23, s10;
	[sflag:s15] =	ssyncadd.s32 $0xFFFFEC00  }
.Ltmp1:
0xa1: {  	[bflag:$0x0] =	sbarrier.arrive $0xFFFF;
	(pc) =	sbr.rel @p0 .LBB2_1-.Ltmp1, $4  }
0xa2: {  	[hbm:s9], [sflag:s8] =	dma.local [spmem:s14], $0x2800  }
0xa3: {  	_ =	swait.ge [sflag:s15], $0x2800  }
0xa4: {  	[sflag:s15] =	ssyncset.done $0x0  }
0xa5: {  	[sflag:s15] =	ssyncadd.s32 $0xFFFFD800  }
0xa6: {  	_ =	sfence.sel $0x180000  }
0xa7: {  	[bflag:$0x0] =	sbarrier.arrive $0xFFFF  }
0xa8: {  	_ =	strace $0x90000047  }
0xa9: {  	s0 =	stileid.u32;
	[bflag:$0x2] =	sbarrier.arrive $0xFFFF  }
0xaa: {  	p0 =	sne.s32 s0, $0x0;
	s0 =	rddreg [dreg:$0x3]  }
0xab: {  	s0 =	sadd.s32 @!p0 $0x100000, s0  }
0xac: {  	[sflag:s0] =	ssyncadd.tile.s32 @!p0 $0x1;
	_ =	shalt  }
.Lfunc_end2:
_tile_overlayer_lowered:
.L_overlay_start_2:
0xad: {  	(tag) =	ssettag $0x2  }
0xae: {  	s0 =	rddreg [dreg:$0x0];
	s2 =	stileid.u32  }
0xaf: {  	s1 =	rddreg [dreg:$0x1];
	p0 =	sne.s32 s2, $0x0  }
0xb0: {  	s3 =	rddreg [dreg:$0x2];
	[bflag:$0x3] =	sbarrier.arrive $0xFFFF;
	s2 =	simm.s32 @!p0 $0x1C06  }
0xb1: {  	[timem:s3], [sflag:s2] =	dma.local @!p0 [hbm:s0], s1  }
0xb2: {  	s0 =	simm.s32 @!p0 $0x6  }
0xb3: {  	_ =	swait.ge @!p0 [sflag:s0], s1  }
0xb4: {  	s1 =	ssub.s32 @!p0 $0x0, s1;
	[sflag:s0] =	ssyncset.done @!p0 $0x0  }
0xb5: {  	[sflag:s0] =	ssyncadd.s32 @!p0 s1  }
0xb6: {  	[bflag:$0x3] =	sbarrier.arrive $0xFFFF  }
0xb7: {  	_ =	shalt  }

</sc_bundles>
